<compile_context>
chip_gen: v7x
topology: tpu7x:2x2x1
jax: 0.10.2.dev20260603
libtpu: 0.0.44.dev20260713+nightly
codegen_flags: <defaults>
</compile_context>

<pallas_src>
import functools

import numpy as np
import jax
import jax.numpy as jnp
from jax import lax
from jax.experimental import pallas as pl
from jax.experimental.pallas import tpu as pltpu
from jax.experimental.pallas import tpu_sc as plsc

_LENGTH = 4096
_MASK_RATIO = 0.75
_MASK_LEN = round(_LENGTH * _MASK_RATIO)
_NUM_VIS = _LENGTH - 1 - _MASK_LEN + 1
_NW = 32
_PER_W = 128
_NCHUNK = 1
_CH = _PER_W // _NCHUNK

_INDEX_CACHE = None


def _index_constants():
    global _INDEX_CACHE
    if _INDEX_CACHE is None:
        with jax.ensure_compile_time_eval(), \
                jax.default_device(jax.devices("cpu")[0]):
            perm = jax.random.permutation(jax.random.key(42), _LENGTH - 1) + 1
            perm = np.asarray(perm).astype(np.int32)
        mask_idx = perm[:_MASK_LEN]
        vis_idx = np.concatenate([np.zeros((1,), np.int32), perm[_MASK_LEN:]])
        _INDEX_CACHE = (vis_idx, mask_idx)
    return _INDEX_CACHE


@functools.lru_cache(maxsize=None)
def _build_gather(total_rows, d):
    mesh = plsc.VectorSubcoreMesh(core_axis_name="c", subcore_axis_name="s")

    @functools.partial(
        pl.kernel,
        mesh=mesh,
        out_type=[
            jax.ShapeDtypeStruct((total_rows, d), jnp.float32),
            jax.ShapeDtypeStruct((_NUM_VIS,), jnp.int32),
            jax.ShapeDtypeStruct((_MASK_LEN,), jnp.int32),
        ],
        scratch_types=[
            pltpu.VMEM((_PER_W,), jnp.int32),
            pltpu.VMEM((_NCHUNK, _CH, d), jnp.float32),
            pltpu.VMEM((_NUM_VIS,), jnp.int32),
            pltpu.VMEM((_MASK_LEN,), jnp.int32),
            pltpu.SemaphoreType.DMA((_NCHUNK,)),
            pltpu.SemaphoreType.DMA((_NCHUNK,)),
        ],
    )
    def gather_k(x_hbm, comb_hbm, out_hbm, vis_o, mask_o,
                 idx_v, rows_v, vis_v, mask_v, gsem, wsem):
        wid = lax.axis_index("s") * 2 + lax.axis_index("c")
        base = wid * _PER_W
        pltpu.sync_copy(comb_hbm.at[pl.ds(base, _PER_W)], idx_v)
        gathers = [
            pltpu.async_copy(x_hbm.at[idx_v.at[pl.ds(j * _CH, _CH)]],
                             rows_v.at[j], gsem.at[j])
            for j in range(_NCHUNK)
        ]

        @pl.when(wid == 1)
        def _():
            pltpu.sync_copy(comb_hbm.at[pl.ds(_NW * _PER_W, _NUM_VIS)], vis_v)
            pltpu.sync_copy(vis_v, vis_o)

        @pl.when(wid == 2)
        def _():
            pltpu.sync_copy(
                comb_hbm.at[pl.ds(_NW * _PER_W + _NUM_VIS, _MASK_LEN)], mask_v)
            pltpu.sync_copy(mask_v, mask_o)

        writes = []
        for j in range(_NCHUNK):
            gathers[j].wait()
            writes.append(
                pltpu.async_copy(rows_v.at[j],
                                 out_hbm.at[pl.ds(base + j * _CH, _CH)],
                                 wsem.at[j]))
        for w in writes:
            w.wait()

    return gather_k


def kernel(x):
    vis_idx, mask_idx = _index_constants()
    b, length, d = x.shape
    total_rows = b * _NUM_VIS
    g = (np.arange(b, dtype=np.int32)[:, None] * length
         + vis_idx[None, :]).reshape(-1)
    comb = np.concatenate([g, vis_idx, mask_idx])

    xf = x.reshape(b * length, d)
    out, vis_o, mask_o = _build_gather(total_rows, d)(xf, jnp.asarray(comb))
    return (out.reshape(b, _NUM_VIS, d), vis_o, mask_o)

# --- scband reference (transcript-rebuilt; emitter-appended) ---
"""Pipeline reference for scband-mask-shuffle-23974507446385 (READ-ONLY COPY).

The authoritative reference and input builder live on the scoring server;
editing this copy changes nothing except your own understanding.
"""

import jax, jax.numpy as jnp
import numpy as np

MASK_RATIO = 0.75

def setup_inputs(seed: int = 0) -> dict:
    key = jax.random.key(seed)
    x = jax.random.normal(key, (4, 4096, 768), dtype=jnp.float32)
    return {"x": x}

def reference(x):
    # Faithful translation of MaskShuffle.forward.
    # torch.randperm(length-1)+1 -> deterministic jax permutation with a fixed key
    # (in-batch samples share one mask strategy, matching the original).
    length = x.shape[1]
    perm_key = jax.random.key(42)
    shuffle_perm = jax.random.permutation(perm_key, length - 1) + 1
    mask_length = round(length * MASK_RATIO)
    mask_index = shuffle_perm[:mask_length]
    visable_index = jnp.concatenate([jnp.zeros((1,), dtype=shuffle_perm.dtype), shuffle_perm[mask_length:]])
    visable_embedding = jnp.take(x, visable_index, axis=1)
    return (visable_embedding, visable_index, mask_index)

if __name__ == "__main__":
    import jax
    _d = setup_inputs()
    print(jax.jit(kernel)(*tuple(_d.values())))

</pallas_src>

<mosaic_0001>
#map = affine_map<(d0, d1) -> (0, 0)>
#map1 = affine_map<(d0, d1) -> (0)>
module attributes {stable_mosaic.version = 14 : i64} {
  func.func @gather_k(%arg0: i32, %arg1: i32, %arg2: memref<16384x768xf32, #tpu.memory_space<hbm>>, %arg3: memref<8192xi32, #tpu.memory_space<hbm>>, %arg4: memref<4096x768xf32, #tpu.memory_space<hbm>>, %arg5: memref<1024xi32, #tpu.memory_space<hbm>>, %arg6: memref<3072xi32, #tpu.memory_space<hbm>>, %arg7: memref<128xi32, #tpu.memory_space<vmem>>, %arg8: memref<1x128x768xf32, #tpu.memory_space<vmem>>, %arg9: memref<1024xi32, #tpu.memory_space<vmem>>, %arg10: memref<3072xi32, #tpu.memory_space<vmem>>, %arg11: memref<1x!tpu.dma_semaphore, #tpu.memory_space<semaphore_mem>>, %arg12: memref<1x!tpu.dma_semaphore, #tpu.memory_space<semaphore_mem>>) attributes {dimension_semantics = [#tpu.dimension_semantics<core_parallel>, #tpu.dimension_semantics<subcore_parallel>], iteration_bounds = array<i64: 2, 16>, scalar_prefetch = 0 : i64, scratch_operands = 6 : i64, tpu.core_type = #tpu.core_type<sc_vector_subcore>, window_params = [{transform_indices = #map}, {transform_indices = #map1}, {transform_indices = #map}, {transform_indices = #map1}, {transform_indices = #map1}]} {
    %mul3A = arith.constant 2 : i32
    %mul3A_0 = arith.muli %arg1, %mul3A : i32
    %add3A = arith.addi %mul3A_0, %arg0 : i32
    %mul3A_1 = arith.constant 128 : i32
    %mul3A_2 = arith.muli %add3A, %mul3A_1 : i32
    "tpu.region"() ({
      %run_scoped3A = tpu.sem_alloc : memref<!tpu.dma_semaphore, #tpu.memory_space<semaphore_mem>>
      %dma_start3A_68 = tpu.memref_slice %arg3[%mul3A_2] : memref<8192xi32, #tpu.memory_space<hbm>> -> memref<128xi32, #tpu.memory_space<hbm>>
      %dma_start3A_69 = tpu.memref_slice %arg3[%mul3A_2] : memref<8192xi32, #tpu.memory_space<hbm>> -> memref<128xi32, #tpu.memory_space<hbm>>
      tpu.enqueue_dma source(%dma_start3A_69 : memref<128xi32, #tpu.memory_space<hbm>>) target(%arg7 : memref<128xi32, #tpu.memory_space<vmem>>) target_semaphore(%run_scoped3A : memref<!tpu.dma_semaphore, #tpu.memory_space<semaphore_mem>>)
      %dma_wait3A_70 = tpu.memref_slice %arg3[%mul3A_2] : memref<8192xi32, #tpu.memory_space<hbm>> -> memref<128xi32, #tpu.memory_space<hbm>>
      %dma_wait3A_71 = tpu.memref_slice %arg3[%mul3A_2] : memref<8192xi32, #tpu.memory_space<hbm>> -> memref<128xi32, #tpu.memory_space<hbm>>
      tpu.wait_dma2 semaphore(%run_scoped3A : memref<!tpu.dma_semaphore, #tpu.memory_space<semaphore_mem>>) src(%dma_wait3A_71 : memref<128xi32, #tpu.memory_space<hbm>>) dst(%arg7 : memref<128xi32, #tpu.memory_space<vmem>>)
      tpu.yield
    }) : () -> ()
    %dma_start3A = arith.constant 0 : i32
    %dma_start3A_3 = arith.constant 0 : i32
    %dma_start3A_4 = arith.constant 0 : i32
    %dma_start3A_5 = arith.constant 0 : i32
    %dma_start3A_6 = tpu.memref_slice %arg8[%dma_start3A, %dma_start3A_4, %dma_start3A_5] : memref<1x128x768xf32, #tpu.memory_space<vmem>> -> memref<1x128x768xf32, #tpu.memory_space<vmem>>
    %dma_start3A_7 = tpu.memref_squeeze %dma_start3A_6 : memref<1x128x768xf32, #tpu.memory_space<vmem>> -> memref<128x768xf32, #tpu.memory_space<vmem>>
    %dma_start3A_8 = arith.constant 0 : i32
    %dma_start3A_9 = tpu.memref_slice %arg7[%dma_start3A_8] : memref<128xi32, #tpu.memory_space<vmem>> -> memref<128xi32, #tpu.memory_space<vmem>>
    %dma_start3A_10 = arith.constant 0 : i32
    %dma_start3A_11 = arith.constant 0 : i32
    %dma_start3A_12 = tpu.memref_slice %arg2[%dma_start3A_10, %dma_start3A_11] : memref<16384x768xf32, #tpu.memory_space<hbm>> -> memref<16384x768xf32, #tpu.memory_space<hbm>>
    %dma_start3A_13 = tpu.memref_slice %arg11[%dma_start3A_3] : memref<1x!tpu.dma_semaphore, #tpu.memory_space<semaphore_mem>> -> memref<1x!tpu.dma_semaphore, #tpu.memory_space<semaphore_mem>>
    %dma_start3A_14 = tpu.memref_squeeze %dma_start3A_13 : memref<1x!tpu.dma_semaphore, #tpu.memory_space<semaphore_mem>> -> memref<!tpu.dma_semaphore, #tpu.memory_space<semaphore_mem>>
    tpu.enqueue_indirect_dma source(%dma_start3A_12 : memref<16384x768xf32, #tpu.memory_space<hbm>>) target(%dma_start3A_7 : memref<128x768xf32, #tpu.memory_space<vmem>>) offsets(%dma_start3A_9 : memref<128xi32, #tpu.memory_space<vmem>>) semaphore(%dma_start3A_14 : memref<!tpu.dma_semaphore, #tpu.memory_space<semaphore_mem>>)
    %eq3A = arith.constant 1 : i32
    %eq3A_15 = arith.cmpi eq, %add3A, %eq3A : i32
    %convert_element_type3A = arith.extui %eq3A_15 : i1 to i32
    %cond3A = arith.constant 0 : i32
    %cond3A_16 = arith.cmpi ne, %convert_element_type3A, %cond3A : i32
    scf.if %cond3A_16 {
      "tpu.region"() ({
        %run_scoped3A = tpu.sem_alloc : memref<!tpu.dma_semaphore, #tpu.memory_space<semaphore_mem>>
        %dma_start3A_68 = arith.constant 4096 : i32
        %dma_start3A_69 = tpu.memref_slice %arg3[%dma_start3A_68] : memref<8192xi32, #tpu.memory_space<hbm>> -> memref<1024xi32, #tpu.memory_space<hbm>>
        %dma_start3A_70 = arith.constant 4096 : i32
        %dma_start3A_71 = tpu.memref_slice %arg3[%dma_start3A_70] : memref<8192xi32, #tpu.memory_space<hbm>> -> memref<1024xi32, #tpu.memory_space<hbm>>
        tpu.enqueue_dma source(%dma_start3A_71 : memref<1024xi32, #tpu.memory_space<hbm>>) target(%arg9 : memref<1024xi32, #tpu.memory_space<vmem>>) target_semaphore(%run_scoped3A : memref<!tpu.dma_semaphore, #tpu.memory_space<semaphore_mem>>)
        %dma_wait3A_72 = arith.constant 4096 : i32
        %dma_wait3A_73 = tpu.memref_slice %arg3[%dma_wait3A_72] : memref<8192xi32, #tpu.memory_space<hbm>> -> memref<1024xi32, #tpu.memory_space<hbm>>
        %dma_wait3A_74 = arith.constant 4096 : i32
        %dma_wait3A_75 = tpu.memref_slice %arg3[%dma_wait3A_74] : memref<8192xi32, #tpu.memory_space<hbm>> -> memref<1024xi32, #tpu.memory_space<hbm>>
        tpu.wait_dma2 semaphore(%run_scoped3A : memref<!tpu.dma_semaphore, #tpu.memory_space<semaphore_mem>>) src(%dma_wait3A_75 : memref<1024xi32, #tpu.memory_space<hbm>>) dst(%arg9 : memref<1024xi32, #tpu.memory_space<vmem>>)
        tpu.yield
      }) : () -> ()
      "tpu.region"() ({
        %run_scoped3A = tpu.sem_alloc : memref<!tpu.dma_semaphore, #tpu.memory_space<semaphore_mem>>
        tpu.enqueue_dma source(%arg9 : memref<1024xi32, #tpu.memory_space<vmem>>) target(%arg5 : memref<1024xi32, #tpu.memory_space<hbm>>) target_semaphore(%run_scoped3A : memref<!tpu.dma_semaphore, #tpu.memory_space<semaphore_mem>>)
        tpu.wait_dma2 semaphore(%run_scoped3A : memref<!tpu.dma_semaphore, #tpu.memory_space<semaphore_mem>>) src(%arg9 : memref<1024xi32, #tpu.memory_space<vmem>>) dst(%arg5 : memref<1024xi32, #tpu.memory_space<hbm>>)
        tpu.yield
      }) : () -> ()
    } else {
    }
    %eq3A_17 = arith.constant 2 : i32
    %eq3A_18 = arith.cmpi eq, %add3A, %eq3A_17 : i32
    %convert_element_type3A_19 = arith.extui %eq3A_18 : i1 to i32
    %cond3A_20 = arith.constant 0 : i32
    %cond3A_21 = arith.cmpi ne, %convert_element_type3A_19, %cond3A_20 : i32
    scf.if %cond3A_21 {
      "tpu.region"() ({
        %run_scoped3A = tpu.sem_alloc : memref<!tpu.dma_semaphore, #tpu.memory_space<semaphore_mem>>
        %dma_start3A_68 = arith.constant 5120 : i32
        %dma_start3A_69 = tpu.memref_slice %arg3[%dma_start3A_68] : memref<8192xi32, #tpu.memory_space<hbm>> -> memref<3072xi32, #tpu.memory_space<hbm>>
        %dma_start3A_70 = arith.constant 5120 : i32
        %dma_start3A_71 = tpu.memref_slice %arg3[%dma_start3A_70] : memref<8192xi32, #tpu.memory_space<hbm>> -> memref<3072xi32, #tpu.memory_space<hbm>>
        tpu.enqueue_dma source(%dma_start3A_71 : memref<3072xi32, #tpu.memory_space<hbm>>) target(%arg10 : memref<3072xi32, #tpu.memory_space<vmem>>) target_semaphore(%run_scoped3A : memref<!tpu.dma_semaphore, #tpu.memory_space<semaphore_mem>>)
        %dma_wait3A_72 = arith.constant 5120 : i32
        %dma_wait3A_73 = tpu.memref_slice %arg3[%dma_wait3A_72] : memref<8192xi32, #tpu.memory_space<hbm>> -> memref<3072xi32, #tpu.memory_space<hbm>>
        %dma_wait3A_74 = arith.constant 5120 : i32
        %dma_wait3A_75 = tpu.memref_slice %arg3[%dma_wait3A_74] : memref<8192xi32, #tpu.memory_space<hbm>> -> memref<3072xi32, #tpu.memory_space<hbm>>
        tpu.wait_dma2 semaphore(%run_scoped3A : memref<!tpu.dma_semaphore, #tpu.memory_space<semaphore_mem>>) src(%dma_wait3A_75 : memref<3072xi32, #tpu.memory_space<hbm>>) dst(%arg10 : memref<3072xi32, #tpu.memory_space<vmem>>)
        tpu.yield
      }) : () -> ()
      "tpu.region"() ({
        %run_scoped3A = tpu.sem_alloc : memref<!tpu.dma_semaphore, #tpu.memory_space<semaphore_mem>>
        tpu.enqueue_dma source(%arg10 : memref<3072xi32, #tpu.memory_space<vmem>>) target(%arg6 : memref<3072xi32, #tpu.memory_space<hbm>>) target_semaphore(%run_scoped3A : memref<!tpu.dma_semaphore, #tpu.memory_space<semaphore_mem>>)
        tpu.wait_dma2 semaphore(%run_scoped3A : memref<!tpu.dma_semaphore, #tpu.memory_space<semaphore_mem>>) src(%arg10 : memref<3072xi32, #tpu.memory_space<vmem>>) dst(%arg6 : memref<3072xi32, #tpu.memory_space<hbm>>)
        tpu.yield
      }) : () -> ()
    } else {
    }
    %dma_wait3A = arith.constant 0 : i32
    %dma_wait3A_22 = arith.constant 0 : i32
    %dma_wait3A_23 = arith.constant 0 : i32
    %dma_wait3A_24 = arith.constant 0 : i32
    %dma_wait3A_25 = tpu.memref_slice %arg8[%dma_wait3A, %dma_wait3A_23, %dma_wait3A_24] : memref<1x128x768xf32, #tpu.memory_space<vmem>> -> memref<1x128x768xf32, #tpu.memory_space<vmem>>
    %dma_wait3A_26 = tpu.memref_squeeze %dma_wait3A_25 : memref<1x128x768xf32, #tpu.memory_space<vmem>> -> memref<128x768xf32, #tpu.memory_space<vmem>>
    %dma_wait3A_27 = arith.constant 0 : i32
    %dma_wait3A_28 = tpu.memref_slice %arg7[%dma_wait3A_27] : memref<128xi32, #tpu.memory_space<vmem>> -> memref<128xi32, #tpu.memory_space<vmem>>
    %dma_wait3A_29 = arith.constant 0 : i32
    %dma_wait3A_30 = arith.constant 0 : i32
    %dma_wait3A_31 = tpu.memref_slice %arg2[%dma_wait3A_29, %dma_wait3A_30] : memref<16384x768xf32, #tpu.memory_space<hbm>> -> memref<16384x768xf32, #tpu.memory_space<hbm>>
    %dma_wait3A_32 = tpu.memref_slice %arg11[%dma_wait3A_22] : memref<1x!tpu.dma_semaphore, #tpu.memory_space<semaphore_mem>> -> memref<1x!tpu.dma_semaphore, #tpu.memory_space<semaphore_mem>>
    %dma_wait3A_33 = tpu.memref_squeeze %dma_wait3A_32 : memref<1x!tpu.dma_semaphore, #tpu.memory_space<semaphore_mem>> -> memref<!tpu.dma_semaphore, #tpu.memory_space<semaphore_mem>>
    tpu.wait_indirect_dma semaphore(%dma_wait3A_33 : memref<!tpu.dma_semaphore, #tpu.memory_space<semaphore_mem>>) src(%dma_wait3A_31 : memref<16384x768xf32, #tpu.memory_space<hbm>>) dst(%dma_wait3A_26 : memref<128x768xf32, #tpu.memory_space<vmem>>)
    %add3A_34 = arith.constant 0 : i32
    %add3A_35 = arith.addi %mul3A_2, %add3A_34 : i32
    %dma_start3A_36 = arith.constant 0 : i32
    %dma_start3A_37 = arith.constant 0 : i32
    %dma_start3A_38 = arith.constant 0 : i32
    %dma_start3A_39 = arith.constant 0 : i32
    %dma_start3A_40 = tpu.memref_slice %arg8[%dma_start3A_36, %dma_start3A_38, %dma_start3A_39] : memref<1x128x768xf32, #tpu.memory_space<vmem>> -> memref<1x128x768xf32, #tpu.memory_space<vmem>>
    %dma_start3A_41 = tpu.memref_squeeze %dma_start3A_40 : memref<1x128x768xf32, #tpu.memory_space<vmem>> -> memref<128x768xf32, #tpu.memory_space<vmem>>
    %dma_start3A_42 = arith.constant 0 : i32
    %dma_start3A_43 = tpu.memref_slice %arg4[%add3A_35, %dma_start3A_42] : memref<4096x768xf32, #tpu.memory_space<hbm>> -> memref<128x768xf32, #tpu.memory_space<hbm>>
    %dma_start3A_44 = tpu.memref_slice %arg12[%dma_start3A_37] : memref<1x!tpu.dma_semaphore, #tpu.memory_space<semaphore_mem>> -> memref<1x!tpu.dma_semaphore, #tpu.memory_space<semaphore_mem>>
    %dma_start3A_45 = tpu.memref_squeeze %dma_start3A_44 : memref<1x!tpu.dma_semaphore, #tpu.memory_space<semaphore_mem>> -> memref<!tpu.dma_semaphore, #tpu.memory_space<semaphore_mem>>
    %dma_start3A_46 = arith.constant 0 : i32
    %dma_start3A_47 = tpu.memref_slice %arg4[%add3A_35, %dma_start3A_46] : memref<4096x768xf32, #tpu.memory_space<hbm>> -> memref<128x768xf32, #tpu.memory_space<hbm>>
    %dma_start3A_48 = arith.constant 0 : i32
    %dma_start3A_49 = arith.constant 0 : i32
    %dma_start3A_50 = tpu.memref_slice %arg8[%dma_start3A_36, %dma_start3A_48, %dma_start3A_49] : memref<1x128x768xf32, #tpu.memory_space<vmem>> -> memref<1x128x768xf32, #tpu.memory_space<vmem>>
    %dma_start3A_51 = tpu.memref_squeeze %dma_start3A_50 : memref<1x128x768xf32, #tpu.memory_space<vmem>> -> memref<128x768xf32, #tpu.memory_space<vmem>>
    tpu.enqueue_dma source(%dma_start3A_51 : memref<128x768xf32, #tpu.memory_space<vmem>>) target(%dma_start3A_47 : memref<128x768xf32, #tpu.memory_space<hbm>>) target_semaphore(%dma_start3A_45 : memref<!tpu.dma_semaphore, #tpu.memory_space<semaphore_mem>>)
    %dma_wait3A_52 = arith.constant 0 : i32
    %dma_wait3A_53 = arith.constant 0 : i32
    %dma_wait3A_54 = arith.constant 0 : i32
    %dma_wait3A_55 = arith.constant 0 : i32
    %dma_wait3A_56 = tpu.memref_slice %arg8[%dma_wait3A_52, %dma_wait3A_54, %dma_wait3A_55] : memref<1x128x768xf32, #tpu.memory_space<vmem>> -> memref<1x128x768xf32, #tpu.memory_space<vmem>>
    %dma_wait3A_57 = tpu.memref_squeeze %dma_wait3A_56 : memref<1x128x768xf32, #tpu.memory_space<vmem>> -> memref<128x768xf32, #tpu.memory_space<vmem>>
    %dma_wait3A_58 = arith.constant 0 : i32
    %dma_wait3A_59 = tpu.memref_slice %arg4[%add3A_35, %dma_wait3A_58] : memref<4096x768xf32, #tpu.memory_space<hbm>> -> memref<128x768xf32, #tpu.memory_space<hbm>>
    %dma_wait3A_60 = tpu.memref_slice %arg12[%dma_wait3A_53] : memref<1x!tpu.dma_semaphore, #tpu.memory_space<semaphore_mem>> -> memref<1x!tpu.dma_semaphore, #tpu.memory_space<semaphore_mem>>
    %dma_wait3A_61 = tpu.memref_squeeze %dma_wait3A_60 : memref<1x!tpu.dma_semaphore, #tpu.memory_space<semaphore_mem>> -> memref<!tpu.dma_semaphore, #tpu.memory_space<semaphore_mem>>
    %dma_wait3A_62 = arith.constant 0 : i32
    %dma_wait3A_63 = tpu.memref_slice %arg4[%add3A_35, %dma_wait3A_62] : memref<4096x768xf32, #tpu.memory_space<hbm>> -> memref<128x768xf32, #tpu.memory_space<hbm>>
    %dma_wait3A_64 = arith.constant 0 : i32
    %dma_wait3A_65 = arith.constant 0 : i32
    %dma_wait3A_66 = tpu.memref_slice %arg8[%dma_wait3A_52, %dma_wait3A_64, %dma_wait3A_65] : memref<1x128x768xf32, #tpu.memory_space<vmem>> -> memref<1x128x768xf32, #tpu.memory_space<vmem>>
    %dma_wait3A_67 = tpu.memref_squeeze %dma_wait3A_66 : memref<1x128x768xf32, #tpu.memory_space<vmem>> -> memref<128x768xf32, #tpu.memory_space<vmem>>
    tpu.wait_dma2 semaphore(%dma_wait3A_61 : memref<!tpu.dma_semaphore, #tpu.memory_space<semaphore_mem>>) src(%dma_wait3A_67 : memref<128x768xf32, #tpu.memory_space<vmem>>) dst(%dma_wait3A_63 : memref<128x768xf32, #tpu.memory_space<hbm>>)
    return
  }
}

</mosaic_0001>

<sc_bundles>
// kernel: kernel.3.cloned.1.call-start
scs
__scs_entry_jumppad:
0x0: {  	(pc) =	sbr.rel $0x88, $3  }
0x1: {  	(tag) =	ssettag $0x0;
	lr =	simm.s32 $0x1  }
0x2: {  	[smem:$0x3FA0] =	sst lr;
	_ =	strace $0xD0000000  }
0x3: {  	_ = 	snop  }
0x4: {  	_ = 	snop  }
0x5: {  	_ = 	snop  }
0x6: {  	_ = 	snop  }
0x7: {  	_ = 	snop  }
__scs_overlays_trampoline_lowered:
0x8: {  	[smem:$0x3FAF] =	sst s0  }
0x9: {  	[smem:$0x3FB0] =	sst s1  }
0xa: {  	[smem:$0x3FB1] =	sst s2  }
0xb: {  	[smem:$0x3FB2] =	sst s3  }
0xc: {  	[smem:$0x3FB3] =	sst s4  }
0xd: {  	[smem:$0x3FB4] =	sst s5  }
0xe: {  	[smem:$0x3FB5] =	sst s6  }
0xf: {  	[smem:$0x3FB6] =	sst s7  }
0x10: {  	[smem:$0x3FB7] =	sst s8  }
0x11: {  	[smem:$0x3FB8] =	sst s9;
	s0 =	simm.s32 @!p0 $0x0  }
0x12: {  	s1 =	sld [smem:$0x3F9E];
	s0 =	simm.s32 @p0 $0x1  }
0x13: {  	[smem:$0x3FB9] =	sst s0;
	s0 =	simm.s32 @!p1 $0x0  }
0x14: {  	s2 =	sld [smem:$0x3F9D];
	s0 =	simm.s32 @p1 $0x1  }
0x15: {  	[smem:$0x3FBA] =	sst s0;
	s0 =	simm.s32 @!p2 $0x0  }
0x16: {  	s3 =	sld [smem:$0x3FDB];
	s0 =	simm.s32 @p2 $0x1  }
0x17: {  	s4 =	simm.s32 $0x1BF5;
	[smem:$0x3FBC] =	sst s0  }
0x18: {  	s0 =	sld [smem:$0x3F9F];
	_ =	swait.ge [sflag:s4], $0x0  }
0x19: {  	s7 =	sld [smem:$0x3FA0]  }
0x1a: {  	s8 =	sadd.s32 $0xFFFFE003, lr  }
0x1b: {  	s9 =	sadd.s32 $0xFFFFFEF7, lr;
	s5 =	simm.s32 $0xFFFFFFFF;
	p2 =	slt.u32 s8, $0xFFFFF086  }
0x1c: {  	p1 =	slt.u32 s9, $0xF7A;
	s5 =	simm.s32 @!p2 $0x0  }
0x1d: {  	s5 =	simm.s32 @p1 $0x1;
	p0 =	seq.s32 s7, s2  }
0x1e: {  	s7 =	smul.u32 @!p0 $0xF7A, s2;
	p2 =	seq.s32 @!p0 s5, $0x0  }
0x1f: {  	s9 =	smul.u32 $0xF7A, s1;
	s8 =	simm.s32 @!p0 $0x1BF5;
	p2 =	por !p2, p0  }
0x20: {  	[sflag:s8] =	ssyncset.s32 @!p0 $0xFFFFF086;
	s6 =	sadd.s32 @!p0 s3, s7;
	s7 =	simm.s32 @!p0 $0x108  }
0x21: {  	s3 =	sadd.s32 s3, s9;
	s6 =	sadd.s32 @!p0 $0x88, s6;
	s7 =	simm.s32 @p2 $0x1082  }
0x22: {  	[simem:s7], [sflag:s8] =	dma.local @!p0 [hbm:s6], $0xF7A  }
0x23: {  	s9 =	sor.u32 $0xD0000000, s2;
	s6 =	simm.s32 $0x108;
	_ =	swait.ge @!p0 [sflag:s8], $0x0  }
0x24: {  	s3 =	sadd.s32 $0x88, s3;
	s6 =	simm.s32 @!p1 $0x1082;
	[sflag:s4] =	ssyncset.s32 $0xFFFFF086  }
0x25: {  	[simem:s6], [sflag:s4] =	dma.local [hbm:s3], $0xF7A  }
0x26: {  	[smem:$0x3FA0] =	sst s1;
	(tag) =	ssettag s2;
	_ =	strace s9  }
0x27: {  	s1 =	sld [smem:$0x3FB0]  }
0x28: {  	s2 =	sld [smem:$0x3FB1]  }
0x29: {  	s4 =	sld [smem:$0x3FB3]  }
0x2a: {  	p0 =	seq.s32 s5, $0x0;
	s5 =	sld [smem:$0x3FB4]  }
0x2b: {  	s6 =	sld [smem:$0x3FB5]  }
0x2c: {  	s7 =	sld [smem:$0x3FB6]  }
0x2d: {  	s3 =	simm.s32 $0x108;
	s8 =	sld [smem:$0x3FB7]  }
0x2e: {  	s3 =	simm.s32 @!p0 $0x1082;
	s9 =	sld [smem:$0x3FB8]  }
0x2f: {  	lr =	sadd.s32 s0, s3;
	s0 =	sld [smem:$0x3FAF]  }
0x30: {  	s3 =	sld [smem:$0x3FB2]  }
0x31: {  	[smem:$0x3FBB] =	sst s10  }
0x32: {  	s10 =	sld [smem:$0x3FB9];
	_ =	sdelay $0x3  }
0x33: {  	p0 =	seq.s32 s10, $0x1;
	s10 =	sld [smem:$0x3FBB];
	_ =	sdelay $0x3  }
0x34: {  	[smem:$0x3FBB] =	sst s10  }
0x35: {  	s10 =	sld [smem:$0x3FBA];
	_ =	sdelay $0x3  }
0x36: {  	p1 =	seq.s32 s10, $0x1;
	s10 =	sld [smem:$0x3FBB];
	_ =	sdelay $0x3  }
0x37: {  	[smem:$0x3FBB] =	sst s10  }
0x38: {  	s10 =	sld [smem:$0x3FBC]  }
0x39: {  	_ = 	snop;
	(pc) =	sbr.ind lr, $3  }
0x3a: {  	_ = 	snop  }
0x3b: {  	_ = 	snop  }
0x3c: {  	p2 =	seq.s32 s10, $0x1;
	s10 =	sld [smem:$0x3FBB]  }
0x3d: {  	_ =	shalt  }
0x3e: {  	_ =	shalt  }
0x3f: {  	_ =	shalt  }
0x40: {  	_ =	shalt  }
0x41: {  	_ =	shalt  }
0x42: {  	_ =	shalt  }
0x43: {  	_ =	shalt  }
0x44: {  	_ =	shalt  }
0x45: {  	_ =	shalt  }
0x46: {  	_ =	shalt  }
0x47: {  	_ =	shalt  }
0x48: {  	_ =	shalt  }
0x49: {  	_ =	shalt  }
0x4a: {  	_ =	shalt  }
0x4b: {  	_ =	shalt  }
0x4c: {  	_ =	shalt  }
0x4d: {  	_ =	shalt  }
0x4e: {  	_ =	shalt  }
0x4f: {  	_ =	shalt  }
0x50: {  	_ =	shalt  }
0x51: {  	_ =	shalt  }
0x52: {  	_ =	shalt  }
0x53: {  	_ =	shalt  }
0x54: {  	_ =	shalt  }
0x55: {  	_ =	shalt  }
0x56: {  	_ =	shalt  }
0x57: {  	_ =	shalt  }
0x58: {  	_ =	shalt  }
0x59: {  	_ =	shalt  }
0x5a: {  	_ =	shalt  }
0x5b: {  	_ =	shalt  }
0x5c: {  	_ =	shalt  }
0x5d: {  	_ =	shalt  }
0x5e: {  	_ =	shalt  }
0x5f: {  	_ =	shalt  }
0x60: {  	_ =	shalt  }
0x61: {  	_ =	shalt  }
0x62: {  	_ =	shalt  }
0x63: {  	_ =	shalt  }
0x64: {  	_ =	shalt  }
0x65: {  	_ =	shalt  }
0x66: {  	_ =	shalt  }
0x67: {  	_ =	shalt  }
0x68: {  	_ =	shalt  }
0x69: {  	_ =	shalt  }
0x6a: {  	_ =	shalt  }
0x6b: {  	_ =	shalt  }
0x6c: {  	_ =	shalt  }
0x6d: {  	_ =	shalt  }
0x6e: {  	_ =	shalt  }
0x6f: {  	_ =	shalt  }
0x70: {  	_ =	shalt  }
0x71: {  	_ =	shalt  }
0x72: {  	_ =	shalt  }
0x73: {  	_ =	shalt  }
0x74: {  	_ =	shalt  }
0x75: {  	_ =	shalt  }
0x76: {  	_ =	shalt  }
0x77: {  	_ =	shalt  }
0x78: {  	_ =	shalt  }
0x79: {  	_ =	shalt  }
0x7a: {  	_ =	shalt  }
0x7b: {  	_ =	shalt  }
0x7c: {  	_ =	shalt  }
0x7d: {  	_ =	shalt  }
0x7e: {  	_ =	shalt  }
0x7f: {  	_ =	shalt  }
0x80: {  	_ =	shalt  }
0x81: {  	_ =	shalt  }
0x82: {  	_ =	shalt  }
0x83: {  	_ =	shalt  }
0x84: {  	_ =	shalt  }
0x85: {  	_ =	shalt  }
0x86: {  	_ =	shalt  }
0x87: {  	_ =	shalt  }
.Lfunc_end0:
.L_simem_size_0:
called_computation_lowered:
.L_overlay_start_0:
0x88: {  	s2 =	sld [smem:$0x3FD9]  }
0x89: {  	s3 =	sld [smem:$0x3FFE];
	_ =	sdelay $0x1  }
0x8a: {  	s1 =	srdreg.scid  }
0x8b: {  	s0 =	sand.u32 $0x1, s1  }
0x8c: {  	s14 =	sshll.u32 s0, $0xA;
	s2 =	sadd.s32 s3, s2  }
0x8d: {  	s2 =	sadd.s32 s2, s14  }
0x8e: {  	[smem:$0x3FC7] =	sst s2  }
0x8f: {  	_ = 	snop  }
0x90: {  	s2 =	sld [smem:$0x3FD0];
	_ =	sdelay $0x2  }
0x91: {  	s4 =	simm.s32 $0xA;
	s5 =	simm.s32 $0x10;
	s15 =	sld [smem:$0x3FC9]  }
0x92: {  	[smem:s5], [sflag:s4] =	dma.local [hbm:s2], $0x1  }
0x93: {  	_ =	swait.eq [sflag:s4], $0x1  }
0x94: {  	s16 =	sld [smem:$0x10];
	[sflag:s4] =	ssyncset.done $0x0  }
0x95: {  	s17 =	sld [smem:$0x11];
	[sflag:s4] =	ssyncadd.s32 $0xFFFFFFFF  }
0x96: {  	s18 =	sld [smem:$0x12];
	(tm) =	ssettm $0x1  }
0x97: {  	s6 =	sld [smem:$0x3FFB];
	_ =	sdelay $0x3  }
0x98: {  	_ =	strace s6  }
0x99: {  	s6 =	sld [smem:$0x3FFC];
	_ =	sdelay $0x3  }
0x9a: {  	_ =	strace s6  }
0x9b: {  	s6 =	sld [smem:$0x3FFD];
	_ =	sdelay $0x3  }
0x9c: {  	_ =	strace s6  }
0x9d: {  	_ =	strace $0x8FFFFFFF  }
0x9e: {  	s19 =	sld [smem:$0x3FDB];
	_ =	sdelay $0x1  }
0x9f: {  	s7 =	simm.s32 $_scs_section_size  }
0xa0: {  	s8 =	simm.s32 $_size__tile_overlayer_lowered;
	s9 =	simm.s32 $_tile_overlayer_lowered  }
0xa1: {  	s22 =	simm.s32 $0x1BFF;
	s21 =	sshll.u32 s9, $0x1;
	s6 =	sadd.s32 s7, s19  }
0xa2: {  	s10 =	simm.s32 $0x0;
	s20 =	sshll.u32 s8, $0x1;
	s8 =	sadd.s32 s21, s6  }
0xa3: {  	[timem:s10], [sflag:s22] =	dma.local [hbm:s8], s20  }
0xa4: {  	_ =	swait.ge [sflag:s22], s20  }
0xa5: {  	s7 =	ssub.s32 $0x0, s20;
	[sflag:s22] =	ssyncset.done $0x0  }
0xa6: {  	[sflag:s22] =	ssyncadd.s32 s7;
	_ =	sdelay $0x1  }
0xa7: {  	s23 =	simm.s32 $0x1B8B  }
0xa8: {  	_ =	swait.ge [sflag:s23], $0x1  }
0xa9: {  	[sflag:s23] =	ssyncset.done $0x0  }
0xaa: {  	s25 =	simm.s32 $0x1B8E;
	s24 =	sld [smem:$0x3FFE];
	[sflag:s23] =	ssyncadd.s32 $0xFFFFFFFF  }
0xab: {  	s26 =	simm.s32 $execute0_lowered;
	[smem:$0x3FD2] =	sst s25  }
0xac: {  	s8 =	sshll.u32 s26, $0x1;
	_ =	strace $0x80000046;
	[dreg:$0x1] =	wrdreg $0xFFFFFFFF  }
0xad: {  	s28 =	simm.s32 $_size_execute0_lowered;
	s6 =	sadd.s32 s6, s8;
	[dreg:$0x0] =	wrdreg $0x0  }
0xae: {  	s8 =	sshll.u32 s28, $0x1;
	[dreg:$0x2] =	wrdreg s6  }
0xaf: {  	[dreg:$0x3] =	wrdreg s8  }
0xb0: {  	[dreg:$0x4] =	wrdreg $0xC0  }
0xb1: {  	_ =	task [dreg:s10], $0x5FFFF  }
0xb2: {  	[dreg:$0x1] =	wrdreg $0xFFFFFFFF  }
0xb3: {  	[dreg:$0x0] =	wrdreg $0x60  }
0xb4: {  	[dreg:$0x2] =	wrdreg s15  }
0xb5: {  	[dreg:$0x3] =	wrdreg s24  }
0xb6: {  	[dreg:$0x4] =	wrdreg s16  }
0xb7: {  	[dreg:$0x5] =	wrdreg s17  }
0xb8: {  	[dreg:$0x6] =	wrdreg s18  }
0xb9: {  	[dreg:$0x7] =	wrdreg $0x9  }
0xba: {  	_ =	task.clear_ibuf [dreg:s10], $0x8FFFF;
	_ =	strace $0x90000046  }
0xbb: {  	s29 =	simm.s32 $0x9;
	_ =	strace $0x80000048  }
0xbc: {  	_ =	swait.ge [sflag:s29], $0x1  }
0xbd: {  	[sflag:s29] =	ssyncadd.s32 $0xFFFFFFFF  }
0xbe: {  	_ =	strace $0x90000048  }
0xbf: {  	_ =	sfence  }
0xc0: {  	s30 =	sld [smem:$0x0];
	_ =	sdelay $0x2  }
0xc1: {  	s31 =	sshll.u32 s1, $0xD;
	s1 =	sshrl.u32 s1, $0x2  }
0xc2: {  	s3 =	sand.u32 $0x4000, s31;
	s1 =	sadd.s32 s1, s30  }
0xc3: {  	s0 =	sor.u32 s3, s0;
	s1 =	sshll.u32 s1, $0x11  }
0xc4: {  	s0 =	sor.u32 s1, s0  }
0xc5: {  	s0 =	sadd.s32 $0x8F2B, s0  }
0xc6: {  	[sflag:s0] =	ssyncadd.remote.s32 $0x1  }
0xc7: {  	_ =	sfence.sel $0xFFFF  }
0xc8: {  	[dreg:$0x0] =	wrdreg $0xFFFFFFFF;
	(pc) =	sbr.abs _section_cstart, $3  }
0xc9: {  	[dreg:$0x1] =	wrdreg $0xFFFFFFFF  }
0xca: {  	_ =	task.clear_ibuf [dreg:s10], $0x2FFFF;
	_ =	strace $0x9FFFFFFF  }
0xcb: {  	(tm) =	ssettm $0x7FFFFFFF  }
tec
execute0_lowered:
.L_overlay_start_1:
0x0: {  	(tag) =	ssettag $0x1  }
0x1: {  	s0 =	rddreg [dreg:$0x0]  }
0x2: {  	s5 =	rddreg [dreg:$0x1]  }
0x3: {  	s6 =	rddreg [dreg:$0x2]  }
0x4: {  	s1 =	rddreg [dreg:$0x3]  }
0x5: {  	s3 =	rddreg [dreg:$0x4]  }
0x6: {  	[dreg:$0x6] =	wrdreg s1  }
0x7: {  	s2 =	srdreg.scid;
	[dreg:$0x7] =	wrdreg s3  }
0x8: {  	s4 =	sand.u32 $0x1, s2;
	s2 =	rddreg [dreg:$0x5];
	s3 =	simm.s32 $0x0  }
0x9: {  	s21 =	sadd.s32 $0xA80, s5;
	[smem:$0x7FF] =	sst s3  }
0xa: {  	s23 =	simm.s32 $0x880;
	_ =	strace $0x80000047;
	[dreg:$0x9] =	wrdreg s21  }
0xb: {  	s24 =	simm.s32 $0x1080;
	[dreg:$0xc] =	wrdreg s23  }
0xc: {  	s26 =	simm.s32 $0x1880;
	[dreg:$0xd] =	wrdreg s24  }
0xd: {  	s28 =	simm.s32 $0x2080;
	[dreg:$0xe] =	wrdreg s26  }
0xe: {  	s29 =	simm.s32 $0x2880;
	[dreg:$0xf] =	wrdreg s28  }
0xf: {  	s30 =	simm.s32 $0x3080;
	[dreg:$0x10] =	wrdreg s29  }
0x10: {  	s31 =	simm.s32 $0x3880;
	[dreg:$0x11] =	wrdreg s30  }
0x11: {  	s9 =	simm.s32 $0x5880;
	[dreg:$0x12] =	wrdreg s31  }
0x12: {  	s10 =	simm.s32 $0x6080;
	[dreg:$0x16] =	wrdreg s9  }
0x13: {  	s11 =	simm.s32 $0x6880;
	[dreg:$0x17] =	wrdreg s10  }
0x14: {  	s12 =	simm.s32 $0x7080;
	[dreg:$0x18] =	wrdreg s11  }
0x15: {  	s13 =	simm.s32 $0x7880;
	[dreg:$0x19] =	wrdreg s12  }
0x16: {  	s14 =	simm.s32 $0x8080;
	[dreg:$0x1a] =	wrdreg s13  }
0x17: {  	s15 =	simm.s32 $0x8880;
	[dreg:$0x1b] =	wrdreg s14  }
0x18: {  	s16 =	simm.s32 $0x9080;
	[dreg:$0x1c] =	wrdreg s15  }
0x19: {  	s17 =	simm.s32 $0x9880;
	[dreg:$0x1d] =	wrdreg s16  }
0x1a: {  	s18 =	simm.s32 $0xA080;
	s1 =	stileid.u32;
	[dreg:$0x1e] =	wrdreg s17  }
0x1b: {  	s19 =	simm.s32 $0xA880;
	s20 =	sshll.u32 s1, $0x1;
	[dreg:$0x1f] =	wrdreg s18  }
0x1c: {  	s25 =	sor.u32 s4, s20;
	[smem:$0x7F3] =	sst s19;
	s20 =	simm.s32 $0xB080  }
0x1d: {  	s21 =	simm.s32 $0xB880;
	s23 =	simm.s32 $0xC880;
	s4 =	ssub.s32 $0x2, s4  }
0x1e: {  	s24 =	simm.s32 $0xD080;
	s28 =	simm.s32 $0xD880;
	s29 =	simm.s32 $0xE080  }
0x1f: {  	s30 =	simm.s32 $0xE880;
	s31 =	simm.s32 $0xF080;
	[smem:$0x7F4] =	sst s20  }
0x20: {  	s9 =	simm.s32 $0xF880;
	s10 =	simm.s32 $0x10880;
	[smem:$0x7F5] =	sst s21  }
0x21: {  	s11 =	simm.s32 $0x11080;
	s12 =	simm.s32 $0x11880;
	[smem:$0x7F7] =	sst s23  }
0x22: {  	s13 =	simm.s32 $0x12080;
	s14 =	simm.s32 $0x12880;
	[smem:$0x7F8] =	sst s24  }
0x23: {  	s15 =	simm.s32 $0x13080;
	s16 =	simm.s32 $0x13880;
	[smem:$0x7F9] =	sst s28  }
0x24: {  	s17 =	simm.s32 $0x14080;
	s18 =	simm.s32 $0x14880;
	[smem:$0x7FA] =	sst s29  }
0x25: {  	s19 =	simm.s32 $0x15080;
	s7 =	sshll.u32 s25, $0x4;
	[smem:$0x7FB] =	sst s30  }
0x26: {  	s8 =	smul.u32 $0x3000, s25;
	s26 =	sshrl.u32 s4, $0x1;
	[smem:$0x7FC] =	sst s31  }
0x27: {  	[smem:$0x7FD] =	sst s9;
	s9 =	simm.s32 $0x10080;
	s20 =	simm.s32 $0x15880  }
0x28: {  	s21 =	simm.s32 $0x16080;
	p0 =	seq.s32 s25, $0x2;
	s23 =	simm.s32 $0x17080  }
0x29: {  	s24 =	simm.s32 $0x17880;
	s7 =	sadd.s32 s7, s5;
	s5 =	sadd.s32 $0xA00, s5  }
0x2a: {  	p1 =	sne.s32 @!p0 s25, $0x1;
	s7 =	sadd.s32 $0x800, s7;
	[dreg:$0xa] =	wrdreg s5  }
0x2b: {  	s25 =	simm.s32 $0x1;
	s22 =	sadd.s32 s6, s8;
	[dreg:$0x8] =	wrdreg s7  }
0x2c: {  	s6 =	simm.s32 $0x4080;
	s8 =	simm.s32 $0x5080;
	[dreg:$0xb] =	wrdreg s22  }
0x2d: {  	s5 =	sadd.s32 $0x200, s0;
	p1 =	por p1, p0;
	[dreg:$0x13] =	wrdreg s6  }
0x2e: {  	s7 =	simm.s32 $0x4880;
	[dreg:$0x15] =	wrdreg s8;
	s22 =	simm.s32 $0xC080  }
0x2f: {  	v2 =	vlaneseq.u32;
	s6 =	ssub.s32 s4, s26;
	s4 =	sadd.s32 $0x100, s0;
	[dreg:$0x14] =	wrdreg s7  }
0x30: {  	vm0 =	vmmov $0xffff;
	v1 =	vshrl.u32 v2, $0x3;
	s8 =	simm.s32 $0x80;
	s26 =	simm.s32 $0x2;
	[smem:$0x7F6] =	sst s22  }
0x31: {  	v0 =	vand.u32 $0x7, v2;
	v2 =	vor.u32 $0x8, v2;
	v1 =	vmul.u32 $0x8, v1;
	s6 =	smax.u32 s6, $0x1;
	s7 =	simm.s32 $0x3;
	s22 =	simm.s32 $0x16880  }
.LBB2_1:
0x32: {  	s28 =	rddreg [dreg:$0x8]  }
0x33: {  	[tilespmem:s3], [sflag:$0x3] =	stream.linear.gather [hbm4b:s28+s3], $0x80, $0x38;
	[tilespmem:$0x19080] =	vst v63  }
0x34: {  	_ =	swait.ge [sflag:s7], $0x80  }
0x35: {  	[sflag:s7] =	ssyncset.done $0x0  }
0x36: {  	[sflag:s7] =	ssyncadd.s32 $0xFFFFFF80  }
0x37: {  	v3 =	vld [tilespmem:$0x0];
	_ =	sdelay $0x4  }
0x38: {  	v4 =	vshrl.u32 v3, $0x3  }
0x39: {  	v4 =	vmul.u32 $0x30, v4  }
0x3a: {  	v3 =	vand.u32 $0x7, v3  }
0x3b: {  	v3 =	vor.u32 v3, v4  }
0x3c: {  	v4 =	vperm.xlane v3, v0;
	_ =	sdelay $0x1  }
0x3d: {  	v4 =	vadd.s32 v1, v4;
	_ =	sdelay $0x3  }
0x3e: {  	v3 =	vperm.xlane v3, v2  }
0x3f: {  	[tilespmem:s8], [sflag:$0x1] =	stream.indirect_vreg.gather [hbm4b:s0+s3], $0x80, v4, vm0, $0xb8;
	[tilespmem:$0x19080] =	vst v63  }
0x40: {  	s31 =	rddreg [dreg:$0xc];
	v3 =	vadd.s32 v1, v3  }
0x41: {  	[tilespmem:s31], [sflag:$0x1] =	stream.indirect_vreg.gather [hbm4b:s4+s3], $0x80, v4, vm0, $0xb8;
	[tilespmem:$0x19080] =	vst v63  }
0x42: {  	s29 =	rddreg [dreg:$0xd]  }
0x43: {  	[tilespmem:s29], [sflag:$0x1] =	stream.indirect_vreg.gather [hbm4b:s5+s3], $0x80, v4, vm0, $0xb8;
	[tilespmem:$0x19080] =	vst v63  }
0x44: {  	s30 =	rddreg [dreg:$0xe]  }
0x45: {  	[tilespmem:s30], [sflag:$0x1] =	stream.indirect_vreg.gather [hbm4b:s0+s3], $0x80, v3, vm0, $0xb8;
	[tilespmem:$0x19080] =	vst v63  }
0x46: {  	s31 =	rddreg [dreg:$0xf]  }
0x47: {  	[tilespmem:s31], [sflag:$0x1] =	stream.indirect_vreg.gather [hbm4b:s4+s3], $0x80, v3, vm0, $0xb8;
	[tilespmem:$0x19080] =	vst v63  }
0x48: {  	s30 =	rddreg [dreg:$0x10]  }
0x49: {  	[tilespmem:s30], [sflag:$0x1] =	stream.indirect_vreg.gather [hbm4b:s5+s3], $0x80, v3, vm0, $0xb8;
	[tilespmem:$0x19080] =	vst v63  }
0x4a: {  	v3 =	vld [tilespmem:$0x10];
	_ =	sdelay $0x4  }
0x4b: {  	v57 =	vshrl.u32 v3, $0x3  }
0x4c: {  	v4 =	vmul.u32 $0x30, v57  }
0x4d: {  	v3 =	vand.u32 $0x7, v3  }
0x4e: {  	v3 =	vor.u32 v3, v4  }
0x4f: {  	v4 =	vperm.xlane v3, v0;
	_ =	sdelay $0x1  }
0x50: {  	v4 =	vadd.s32 v1, v4;
	_ =	sdelay $0x3  }
0x51: {  	s31 =	rddreg [dreg:$0x11];
	v3 =	vperm.xlane v3, v2  }
0x52: {  	[tilespmem:s31], [sflag:$0x1] =	stream.indirect_vreg.gather [hbm4b:s0+s3], $0x80, v4, vm0, $0xb8;
	[tilespmem:$0x19080] =	vst v63  }
0x53: {  	s30 =	rddreg [dreg:$0x12];
	v3 =	vadd.s32 v1, v3  }
0x54: {  	[tilespmem:s30], [sflag:$0x1] =	stream.indirect_vreg.gather [hbm4b:s4+s3], $0x80, v4, vm0, $0xb8;
	[tilespmem:$0x19080] =	vst v63  }
0x55: {  	s31 =	rddreg [dreg:$0x13]  }
0x56: {  	[tilespmem:s31], [sflag:$0x1] =	stream.indirect_vreg.gather [hbm4b:s5+s3], $0x80, v4, vm0, $0xb8;
	[tilespmem:$0x19080] =	vst v63  }
0x57: {  	s30 =	rddreg [dreg:$0x14]  }
0x58: {  	[tilespmem:s30], [sflag:$0x1] =	stream.indirect_vreg.gather [hbm4b:s0+s3], $0x80, v3, vm0, $0xb8;
	[tilespmem:$0x19080] =	vst v63  }
0x59: {  	s31 =	rddreg [dreg:$0x15]  }
0x5a: {  	[tilespmem:s31], [sflag:$0x1] =	stream.indirect_vreg.gather [hbm4b:s4+s3], $0x80, v3, vm0, $0xb8;
	[tilespmem:$0x19080] =	vst v63  }
0x5b: {  	s30 =	rddreg [dreg:$0x16]  }
0x5c: {  	[tilespmem:s30], [sflag:$0x1] =	stream.indirect_vreg.gather [hbm4b:s5+s3], $0x80, v3, vm0, $0xb8;
	[tilespmem:$0x19080] =	vst v63  }
0x5d: {  	v3 =	vld [tilespmem:$0x20];
	_ =	sdelay $0x4  }
0x5e: {  	v58 =	vshrl.u32 v3, $0x3  }
0x5f: {  	v4 =	vmul.u32 $0x30, v58  }
0x60: {  	v3 =	vand.u32 $0x7, v3  }
0x61: {  	v3 =	vor.u32 v3, v4  }
0x62: {  	v4 =	vperm.xlane v3, v0;
	_ =	sdelay $0x1  }
0x63: {  	v4 =	vadd.s32 v1, v4;
	_ =	sdelay $0x3  }
0x64: {  	s31 =	rddreg [dreg:$0x17];
	v3 =	vperm.xlane v3, v2  }
0x65: {  	[tilespmem:s31], [sflag:$0x1] =	stream.indirect_vreg.gather [hbm4b:s0+s3], $0x80, v4, vm0, $0xb8;
	[tilespmem:$0x19080] =	vst v63  }
0x66: {  	s30 =	rddreg [dreg:$0x18];
	v3 =	vadd.s32 v1, v3  }
0x67: {  	[tilespmem:s30], [sflag:$0x1] =	stream.indirect_vreg.gather [hbm4b:s4+s3], $0x80, v4, vm0, $0xb8;
	[tilespmem:$0x19080] =	vst v63  }
0x68: {  	s31 =	rddreg [dreg:$0x19]  }
0x69: {  	[tilespmem:s31], [sflag:$0x1] =	stream.indirect_vreg.gather [hbm4b:s5+s3], $0x80, v4, vm0, $0xb8;
	[tilespmem:$0x19080] =	vst v63  }
0x6a: {  	s30 =	rddreg [dreg:$0x1a]  }
0x6b: {  	[tilespmem:s30], [sflag:$0x1] =	stream.indirect_vreg.gather [hbm4b:s0+s3], $0x80, v3, vm0, $0xb8;
	[tilespmem:$0x19080] =	vst v63  }
0x6c: {  	s31 =	rddreg [dreg:$0x1b]  }
0x6d: {  	[tilespmem:s31], [sflag:$0x1] =	stream.indirect_vreg.gather [hbm4b:s4+s3], $0x80, v3, vm0, $0xb8;
	[tilespmem:$0x19080] =	vst v63  }
0x6e: {  	s30 =	rddreg [dreg:$0x1c]  }
0x6f: {  	[tilespmem:s30], [sflag:$0x1] =	stream.indirect_vreg.gather [hbm4b:s5+s3], $0x80, v3, vm0, $0xb8;
	[tilespmem:$0x19080] =	vst v63  }
0x70: {  	v3 =	vld [tilespmem:$0x30];
	_ =	sdelay $0x4  }
0x71: {  	v59 =	vshrl.u32 v3, $0x3  }
0x72: {  	v4 =	vmul.u32 $0x30, v59  }
0x73: {  	v3 =	vand.u32 $0x7, v3  }
0x74: {  	v3 =	vor.u32 v3, v4  }
0x75: {  	v4 =	vperm.xlane v3, v0;
	_ =	sdelay $0x1  }
0x76: {  	v4 =	vadd.s32 v1, v4;
	_ =	sdelay $0x2  }
0x77: {  	s31 =	rddreg [dreg:$0x1d]  }
0x78: {  	s30 =	rddreg [dreg:$0x1e];
	v3 =	vperm.xlane v3, v2  }
0x79: {  	[tilespmem:s31], [sflag:$0x1] =	stream.indirect_vreg.gather [hbm4b:s0+s3], $0x80, v4, vm0, $0xb8;
	[tilespmem:$0x19080] =	vst v63  }
0x7a: {  	v3 =	vadd.s32 v1, v3;
	s31 =	rddreg [dreg:$0x1f]  }
0x7b: {  	[tilespmem:s30], [sflag:$0x1] =	stream.indirect_vreg.gather [hbm4b:s4+s3], $0x80, v4, vm0, $0xb8;
	[tilespmem:$0x19080] =	vst v63  }
0x7c: {  	s30 =	sld [smem:$0x7F3]  }
0x7d: {  	[tilespmem:s31], [sflag:$0x1] =	stream.indirect_vreg.gather [hbm4b:s5+s3], $0x80, v4, vm0, $0xb8;
	[tilespmem:$0x19080] =	vst v63  }
0x7e: {  	s31 =	sld [smem:$0x7F4]  }
0x7f: {  	[tilespmem:s30], [sflag:$0x1] =	stream.indirect_vreg.gather [hbm4b:s0+s3], $0x80, v3, vm0, $0xb8;
	[tilespmem:$0x19080] =	vst v63  }
0x80: {  	s30 =	sld [smem:$0x7F5]  }
0x81: {  	[tilespmem:s31], [sflag:$0x1] =	stream.indirect_vreg.gather [hbm4b:s4+s3], $0x80, v3, vm0, $0xb8;
	[tilespmem:$0x19080] =	vst v63  }
0x82: {  	_ = 	snop  }
0x83: {  	[tilespmem:s30], [sflag:$0x1] =	stream.indirect_vreg.gather [hbm4b:s5+s3], $0x80, v3, vm0, $0xb8;
	[tilespmem:$0x19080] =	vst v63  }
0x84: {  	v3 =	vld [tilespmem:$0x40];
	_ =	sdelay $0x4  }
0x85: {  	v60 =	vshrl.u32 v3, $0x3  }
0x86: {  	v4 =	vmul.u32 $0x30, v60  }
0x87: {  	v3 =	vand.u32 $0x7, v3  }
0x88: {  	v3 =	vor.u32 v3, v4  }
0x89: {  	v4 =	vperm.xlane v3, v0;
	_ =	sdelay $0x1  }
0x8a: {  	v4 =	vadd.s32 v1, v4;
	_ =	sdelay $0x1  }
0x8b: {  	s31 =	sld [smem:$0x7F6];
	_ =	sdelay $0x1  }
0x8c: {  	s30 =	sld [smem:$0x7F7];
	v3 =	vperm.xlane v3, v2  }
0x8d: {  	[tilespmem:s31], [sflag:$0x1] =	stream.indirect_vreg.gather [hbm4b:s0+s3], $0x80, v4, vm0, $0xb8;
	[tilespmem:$0x19080] =	vst v63  }
0x8e: {  	v3 =	vadd.s32 v1, v3;
	s31 =	sld [smem:$0x7F8]  }
0x8f: {  	[tilespmem:s30], [sflag:$0x1] =	stream.indirect_vreg.gather [hbm4b:s4+s3], $0x80, v4, vm0, $0xb8;
	[tilespmem:$0x19080] =	vst v63  }
0x90: {  	s30 =	sld [smem:$0x7F9]  }
0x91: {  	[tilespmem:s31], [sflag:$0x1] =	stream.indirect_vreg.gather [hbm4b:s5+s3], $0x80, v4, vm0, $0xb8;
	[tilespmem:$0x19080] =	vst v63  }
0x92: {  	s31 =	sld [smem:$0x7FA]  }
0x93: {  	[tilespmem:s30], [sflag:$0x1] =	stream.indirect_vreg.gather [hbm4b:s0+s3], $0x80, v3, vm0, $0xb8;
	[tilespmem:$0x19080] =	vst v63  }
0x94: {  	s30 =	sld [smem:$0x7FB]  }
0x95: {  	[tilespmem:s31], [sflag:$0x1] =	stream.indirect_vreg.gather [hbm4b:s4+s3], $0x80, v3, vm0, $0xb8;
	[tilespmem:$0x19080] =	vst v63  }
0x96: {  	_ = 	snop  }
0x97: {  	[tilespmem:s30], [sflag:$0x1] =	stream.indirect_vreg.gather [hbm4b:s5+s3], $0x80, v3, vm0, $0xb8;
	[tilespmem:$0x19080] =	vst v63  }
0x98: {  	v3 =	vld [tilespmem:$0x50];
	_ =	sdelay $0x4  }
0x99: {  	v61 =	vshrl.u32 v3, $0x3  }
0x9a: {  	v4 =	vmul.u32 $0x30, v61  }
0x9b: {  	v3 =	vand.u32 $0x7, v3  }
0x9c: {  	v3 =	vor.u32 v3, v4  }
0x9d: {  	v4 =	vperm.xlane v3, v0;
	_ =	sdelay $0x1  }
0x9e: {  	v4 =	vadd.s32 v1, v4;
	_ =	sdelay $0x1  }
0x9f: {  	s31 =	sld [smem:$0x7FC];
	_ =	sdelay $0x1  }
0xa0: {  	s30 =	sld [smem:$0x7FD];
	v3 =	vperm.xlane v3, v2  }
0xa1: {  	[tilespmem:s31], [sflag:$0x1] =	stream.indirect_vreg.gather [hbm4b:s0+s3], $0x80, v4, vm0, $0xb8;
	[tilespmem:$0x19080] =	vst v63  }
0xa2: {  	v3 =	vadd.s32 v1, v3  }
0xa3: {  	[tilespmem:s30], [sflag:$0x1] =	stream.indirect_vreg.gather [hbm4b:s4+s3], $0x80, v4, vm0, $0xb8;
	[tilespmem:$0x19080] =	vst v63  }
0xa4: {  	_ = 	snop  }
0xa5: {  	[tilespmem:s9], [sflag:$0x1] =	stream.indirect_vreg.gather [hbm4b:s5+s3], $0x80, v4, vm0, $0xb8;
	[tilespmem:$0x19080] =	vst v63  }
0xa6: {  	_ = 	snop  }
0xa7: {  	[tilespmem:s10], [sflag:$0x1] =	stream.indirect_vreg.gather [hbm4b:s0+s3], $0x80, v3, vm0, $0xb8;
	[tilespmem:$0x19080] =	vst v63  }
0xa8: {  	_ = 	snop  }
0xa9: {  	[tilespmem:s11], [sflag:$0x1] =	stream.indirect_vreg.gather [hbm4b:s4+s3], $0x80, v3, vm0, $0xb8;
	[tilespmem:$0x19080] =	vst v63  }
0xaa: {  	_ = 	snop  }
0xab: {  	[tilespmem:s12], [sflag:$0x1] =	stream.indirect_vreg.gather [hbm4b:s5+s3], $0x80, v3, vm0, $0xb8;
	[tilespmem:$0x19080] =	vst v63  }
0xac: {  	v3 =	vld [tilespmem:$0x60];
	_ =	sdelay $0x4  }
0xad: {  	v62 =	vshrl.u32 v3, $0x3  }
0xae: {  	v4 =	vmul.u32 $0x30, v62  }
0xaf: {  	v3 =	vand.u32 $0x7, v3  }
0xb0: {  	v3 =	vor.u32 v3, v4  }
0xb1: {  	v4 =	vperm.xlane v3, v0;
	_ =	sdelay $0x1  }
0xb2: {  	v4 =	vadd.s32 v1, v4;
	_ =	sdelay $0x3  }
0xb3: {  	v3 =	vperm.xlane v3, v2  }
0xb4: {  	[tilespmem:s13], [sflag:$0x1] =	stream.indirect_vreg.gather [hbm4b:s0+s3], $0x80, v4, vm0, $0xb8;
	[tilespmem:$0x19080] =	vst v63  }
0xb5: {  	v3 =	vadd.s32 v1, v3  }
0xb6: {  	[tilespmem:s14], [sflag:$0x1] =	stream.indirect_vreg.gather [hbm4b:s4+s3], $0x80, v4, vm0, $0xb8;
	[tilespmem:$0x19080] =	vst v63  }
0xb7: {  	_ = 	snop  }
0xb8: {  	[tilespmem:s15], [sflag:$0x1] =	stream.indirect_vreg.gather [hbm4b:s5+s3], $0x80, v4, vm0, $0xb8;
	[tilespmem:$0x19080] =	vst v63  }
0xb9: {  	_ = 	snop  }
0xba: {  	[tilespmem:s16], [sflag:$0x1] =	stream.indirect_vreg.gather [hbm4b:s0+s3], $0x80, v3, vm0, $0xb8;
	[tilespmem:$0x19080] =	vst v63  }
0xbb: {  	_ = 	snop  }
0xbc: {  	[tilespmem:s17], [sflag:$0x1] =	stream.indirect_vreg.gather [hbm4b:s4+s3], $0x80, v3, vm0, $0xb8;
	[tilespmem:$0x19080] =	vst v63  }
0xbd: {  	_ = 	snop  }
0xbe: {  	[tilespmem:s18], [sflag:$0x1] =	stream.indirect_vreg.gather [hbm4b:s5+s3], $0x80, v3, vm0, $0xb8;
	[tilespmem:$0x19080] =	vst v63  }
0xbf: {  	v3 =	vld [tilespmem:$0x70];
	_ =	sdelay $0x4  }
0xc0: {  	v63 =	vshrl.u32 v3, $0x3  }
0xc1: {  	v4 =	vmul.u32 $0x30, v63  }
0xc2: {  	v3 =	vand.u32 $0x7, v3  }
0xc3: {  	v3 =	vor.u32 v3, v4  }
0xc4: {  	v4 =	vperm.xlane v3, v0;
	_ =	sdelay $0x1  }
0xc5: {  	v4 =	vadd.s32 v1, v4;
	_ =	sdelay $0x3  }
0xc6: {  	v3 =	vperm.xlane v3, v2  }
0xc7: {  	[tilespmem:s19], [sflag:$0x1] =	stream.indirect_vreg.gather [hbm4b:s0+s3], $0x80, v4, vm0, $0xb8;
	[tilespmem:$0x19080] =	vst v63  }
0xc8: {  	v3 =	vadd.s32 v1, v3  }
0xc9: {  	[tilespmem:s20], [sflag:$0x1] =	stream.indirect_vreg.gather [hbm4b:s4+s3], $0x80, v4, vm0, $0xb8;
	[tilespmem:$0x19080] =	vst v63  }
0xca: {  	_ = 	snop  }
0xcb: {  	[tilespmem:s21], [sflag:$0x1] =	stream.indirect_vreg.gather [hbm4b:s5+s3], $0x80, v4, vm0, $0xb8;
	[tilespmem:$0x19080] =	vst v63  }
0xcc: {  	_ = 	snop  }
0xcd: {  	[tilespmem:s22], [sflag:$0x1] =	stream.indirect_vreg.gather [hbm4b:s0+s3], $0x80, v3, vm0, $0xb8;
	[tilespmem:$0x19080] =	vst v63  }
0xce: {  	_ = 	snop  }
0xcf: {  	[tilespmem:s23], [sflag:$0x1] =	stream.indirect_vreg.gather [hbm4b:s4+s3], $0x80, v3, vm0, $0xb8;
	[tilespmem:$0x19080] =	vst v63  }
0xd0: {  	_ = 	snop  }
0xd1: {  	[tilespmem:s24], [sflag:$0x1] =	stream.indirect_vreg.gather [hbm4b:s5+s3], $0x80, v3, vm0, $0xb8;
	[tilespmem:$0x19080] =	vst v63  }
0xd2: {  	s28 =	rddreg [dreg:$0x9];
	s29 =	simm.s32 @p0 $0x0;
	s30 =	simm.s32 @p0 $0x18480  }
0xd3: {  	[tilespmem:s30], [sflag:$0x3] =	stream.linear.gather @p0 [hbm4b:s28+s29], $0xC00, $0x38;
	[tilespmem:$0x19080] =	vst v63  }
0xd4: {  	s28 =	simm.s32 @p0 $0x3  }
0xd5: {  	_ =	swait.ge @p0 [sflag:s28], $0xC00  }
0xd6: {  	[sflag:s28] =	ssyncset.done @p0 $0x0  }
0xd7: {  	s31 =	rddreg [dreg:$0x7];
	[sflag:s28] =	ssyncadd.s32 @p0 $0xFFFFF400  }
0xd8: {  	[hbm4b:s31+s29] =	stream.linear.scatter @p0 [tilespmem:s30], [sflag:$0x3], $0xC00, $0x38;
	[tilespmem:$0x19080] =	vst v63  }
0xd9: {  	_ =	swait.ge @p0 [sflag:s28], $0xC00  }
0xda: {  	s30 =	simm.s32 @!p1 $0x18080;
	[sflag:s28] =	ssyncset.done @p0 $0x0  }
0xdb: {  	s29 =	rddreg [dreg:$0xa];
	[sflag:s28] =	ssyncadd.s32 @p0 $0xFFFFF400;
	s28 =	simm.s32 @!p1 $0x0  }
0xdc: {  	[tilespmem:s30], [sflag:$0x3] =	stream.linear.gather @!p1 [hbm4b:s29+s28], $0x400, $0x38;
	[tilespmem:$0x19080] =	vst v63  }
0xdd: {  	s29 =	simm.s32 @!p1 $0x3  }
0xde: {  	_ =	swait.ge @!p1 [sflag:s29], $0x400  }
0xdf: {  	[sflag:s29] =	ssyncset.done @!p1 $0x0  }
0xe0: {  	s31 =	rddreg [dreg:$0x6];
	[sflag:s29] =	ssyncadd.s32 @!p1 $0xFFFFFC00  }
0xe1: {  	[hbm4b:s31+s28] =	stream.linear.scatter @!p1 [tilespmem:s30], [sflag:$0x3], $0x400, $0x38;
	[tilespmem:$0x19080] =	vst v63  }
0xe2: {  	_ =	swait.ge @!p1 [sflag:s29], $0x400  }
0xe3: {  	[sflag:s29] =	ssyncset.done @!p1 $0x0  }
0xe4: {  	[sflag:s29] =	ssyncadd.s32 @!p1 $0xFFFFFC00  }
0xe5: {  	s6 =	sadd.s32 $0xFFFFFFFF, s6;
	_ =	swait.ge [sflag:s25], $0x18000  }
0xe6: {  	p2 =	sne.s32 s6, $0x0;
	[sflag:s25] =	ssyncset.done $0x0  }
.Ltmp0:
0xe7: {  	s31 =	rddreg [dreg:$0xb];
	[sflag:s25] =	ssyncadd.s32 $0xFFFE8000;
	(pc) =	sbr.rel @p2 .LBB2_1-.Ltmp0, $4  }
0xe8: {  	[hbm4b:s31+s3] =	stream.linear.scatter [tilespmem:s8], [sflag:$0x2], $0x18000, $0x38;
	[tilespmem:$0x19080] =	vst v63  }
0xe9: {  	_ =	swait.ge [sflag:s26], $0x18000  }
0xea: {  	[sflag:s26] =	ssyncset.done $0x0  }
0xeb: {  	[sflag:s26] =	ssyncadd.s32 $0xFFFE8000  }
0xec: {  	_ =	sfence.sel $0x180000  }
0xed: {  	[bflag:$0x0] =	sbarrier.arrive $0xFFFF  }
0xee: {  	p0 =	sne.s32 s1, $0x0;
	_ =	strace $0x90000047  }
0xef: {  	s0 =	sadd.s32 @!p0 $0x100000, s2;
	[bflag:$0x2] =	sbarrier.arrive $0xFFFF  }
0xf0: {  	[sflag:s0] =	ssyncadd.tile.s32 @!p0 $0x1;
	_ =	shalt  }
.Lfunc_end2:
_tile_overlayer_lowered:
.L_overlay_start_2:
0xf1: {  	(tag) =	ssettag $0x2  }
0xf2: {  	s0 =	rddreg [dreg:$0x0];
	s2 =	stileid.u32  }
0xf3: {  	s1 =	rddreg [dreg:$0x1];
	p0 =	sne.s32 s2, $0x0  }
0xf4: {  	s3 =	rddreg [dreg:$0x2];
	[bflag:$0x3] =	sbarrier.arrive $0xFFFF;
	s2 =	simm.s32 @!p0 $0x1C03  }
0xf5: {  	[timem:s3], [sflag:s2] =	dma.local @!p0 [hbm:s0], s1  }
0xf6: {  	s0 =	simm.s32 @!p0 $0x3  }
0xf7: {  	_ =	swait.ge @!p0 [sflag:s0], s1  }
0xf8: {  	s1 =	ssub.s32 @!p0 $0x0, s1;
	[sflag:s0] =	ssyncset.done @!p0 $0x0  }
0xf9: {  	[sflag:s0] =	ssyncadd.s32 @!p0 s1  }
0xfa: {  	[bflag:$0x3] =	sbarrier.arrive $0xFFFF  }
0xfb: {  	_ =	shalt  }

</sc_bundles>
